<compile_context>
chip_gen: v7x
topology: tpu7x:2x2x1
jax: 0.10.2.dev20260603
libtpu: 0.0.44.dev20260713+nightly
codegen_flags: <defaults>
</compile_context>

<pallas_src>
import jax
import jax.numpy as jnp
from jax import lax
from jax.experimental import pallas as pl
from jax.experimental.pallas import tpu as pltpu

_PATCH = 16
_K_TOP = 16


def _body(t_ref, b_ref, out_ref, s_scr):
    b = pl.program_id(0)
    nb = pl.num_programs(0)
    p = jnp.concatenate([t_ref[0], b_ref[0]], axis=0)
    n, d = p.shape
    pb = p.astype(jnp.bfloat16)
    g = lax.dot_general(pb, pb, (((1,), (1,)), ((), ())),
                        preferred_element_type=jnp.float32)
    p2 = p * p
    sq_col = jnp.sum(p2, axis=1, keepdims=True)
    sq_row = jnp.transpose(sq_col)
    d2 = jnp.maximum(sq_col + sq_row - 2.0 * g, 0.0)
    s_scr[pl.ds(b, 1), :] = jnp.sum(d2, axis=0, keepdims=True) * (1.0 / n)

    @pl.when(b == nb - 1)
    def _topk():
        s = s_scr[...]
        B = s.shape[0]
        lane = lax.broadcasted_iota(jnp.int32, (B, n), 1)
        lane_k = lax.broadcasted_iota(jnp.int32, (B, _K_TOP), 1)
        acc = jnp.zeros((B, _K_TOP), jnp.int32)
        for t in range(_K_TOP):
            m = jnp.max(s, axis=1, keepdims=True)
            idx = jnp.min(jnp.where(s == m, lane, n), axis=1, keepdims=True)
            acc = jnp.where(lane_k == t, idx, acc)
            s = jnp.where(lane == idx, -1.0, s)
        out_ref[...] = acc


def kernel(observed_data, observed_mask):
    del observed_mask
    B, K, L = observed_data.shape
    n = L // _PATCH
    d = K * _PATCH
    patches = observed_data.swapaxes(1, 2).reshape(B, n, d)
    h = n // 2
    out = pl.pallas_call(
        _body,
        grid=(B,),
        in_specs=[pl.BlockSpec((1, h, d), lambda b: (b, 0, 0)),
                  pl.BlockSpec((1, h, d), lambda b: (b, 1, 0))],
        out_specs=pl.BlockSpec((B, _K_TOP), lambda b: (0, 0)),
        out_shape=jax.ShapeDtypeStruct((B, _K_TOP), jnp.int32),
        scratch_shapes=[pltpu.VMEM((B, n), jnp.float32)],
    )(patches, patches)
    return out

# --- scband reference (transcript-rebuilt; emitter-appended) ---
"""Pipeline reference for scband-tsde-ad-48790828482956 (READ-ONLY COPY).

The authoritative reference and input builder live on the scoring server;
editing this copy changes nothing except your own understanding.
"""

import jax, jax.numpy as jnp
import numpy as np

PATCH_SIZE = 16
CLUSTER_NUM = 16


def setup_inputs(seed: int = 0):
    key = jax.random.key(seed)
    k1, _ = jax.random.split(key)
    observed_data = jax.random.normal(k1, (32, 64, 4096), dtype=jnp.float32)
    observed_mask = jnp.ones((32, 64, 4096), dtype=jnp.float32)
    return {"observed_data": observed_data, "observed_mask": observed_mask}


def _cluster_patch(x, patch_size, cluster_num):
    # x: [B, K, L] -> patches: [B, n, K*patch_size]
    B, K, L = x.shape
    n = L // patch_size
    patches = x.reshape(B, K, n, patch_size).transpose(0, 2, 1, 3).reshape(B, n, K * patch_size)
    # pairwise squared euclidean distances between patches (compute-heavy Gram matmul)
    sq = jnp.sum(patches * patches, axis=-1)
    gram = jnp.einsum('bnd,bmd->bnm', patches, patches)
    dist2 = jnp.maximum(sq[:, :, None] + sq[:, None, :] - 2.0 * gram, 0.0)
    # isolation score: mean distance of each patch to all other patches
    scores = jnp.mean(dist2, axis=-1)
    mu = jnp.mean(scores, axis=-1, keepdims=True)
    sd = jnp.std(scores, axis=-1, keepdims=True)
    abnormaly_pos = scores > (mu + sd)
    top_vals, top_idx = jax.lax.top_k(scores, cluster_num)
    return scores, abnormaly_pos, top_idx, top_vals


def _enhance_data(x, farthest_indices, patch_size):
    # replace the selected (farthest / most anomalous) patches with their patch mean
    B, K, L = x.shape
    n = L // patch_size
    patch_mask = jnp.zeros((B, n), dtype=x.dtype).at[jnp.arange(B)[:, None], farthest_indices].set(1.0)
    xp = x.reshape(B, K, n, patch_size)
    patch_mean = jnp.mean(xp, axis=-1, keepdims=True)
    m = patch_mask[:, None, :, None]
    enhanced = xp * (1.0 - m) + patch_mean * m
    return enhanced.reshape(B, K, L)


def reference(observed_data, observed_mask):
    residual = observed_data
    scores, abnormaly_pos, farthest_indices, _ = _cluster_patch(observed_data, PATCH_SIZE, CLUSTER_NUM)
    enhanced_data = _enhance_data(observed_data, farthest_indices, PATCH_SIZE)
    return farthest_indices

if __name__ == "__main__":
    import jax
    _d = setup_inputs()
    print(jax.jit(kernel)(*tuple(_d.values())))

</pallas_src>

<mosaic_0001>
module attributes {stable_mosaic.version = 14 : i64} {
  func.func @_body(%arg0: i32, %arg1: memref<1x128x1024xf32, #tpu.memory_space<vmem>>, %arg2: memref<1x128x1024xf32, #tpu.memory_space<vmem>>, %arg3: memref<32x16xi32, #tpu.memory_space<vmem>>, %arg4: memref<32x256xf32, #tpu.memory_space<vmem>>) attributes {dimension_semantics = [#tpu.dimension_semantics<arbitrary>], iteration_bounds = array<i64: 32>, scalar_prefetch = 0 : i64, scratch_operands = 1 : i64, tpu.core_type = #tpu.core_type<tc>, window_params = [{transform_indices = @transform_0, window_bounds = array<i64: 1, 128, 1024>}, {transform_indices = @transform_1, window_bounds = array<i64: 1, 128, 1024>}, {pipeline_mode = #tpu.pipeline_mode<synchronous>, transform_indices = @transform_2, window_bounds = array<i64: 32, 16>}]} {
    %get3A = arith.constant 0 : index
    %get3A_0 = arith.constant 0 : index
    %get3A_1 = arith.constant 0 : index
    %get3A_2 = vector.load %arg1[%get3A, %get3A_0, %get3A_1] : memref<1x128x1024xf32, #tpu.memory_space<vmem>>, vector<1x128x1024xf32>
    %get3A_3 = vector.shape_cast %get3A_2 : vector<1x128x1024xf32> to vector<128x1024xf32>
    %get3A_4 = arith.constant 0 : index
    %get3A_5 = arith.constant 0 : index
    %get3A_6 = arith.constant 0 : index
    %get3A_7 = vector.load %arg2[%get3A_4, %get3A_5, %get3A_6] : memref<1x128x1024xf32, #tpu.memory_space<vmem>>, vector<1x128x1024xf32>
    %get3A_8 = vector.shape_cast %get3A_7 : vector<1x128x1024xf32> to vector<128x1024xf32>
    %concatenate3A = tpu.concatenate %get3A_3, %get3A_8 in 0 : vector<128x1024xf32>, vector<128x1024xf32> -> vector<256x1024xf32>
    %convert_element_type3A = arith.truncf %concatenate3A : vector<256x1024xf32> to vector<256x1024xbf16>
    %dot_general3A = arith.constant dense<0.000000e+00> : vector<256x256xf32>
    %dot_general3A_9 = tpu.matmul %convert_element_type3A, %convert_element_type3A, %dot_general3A {dimension_numbers = #tpu.dot_dimension_numbers<[1], [1], [0], [0], [0, 0, 1, 0], [], []>, transpose_lhs_hint = false} : vector<256x1024xbf16>, vector<256x1024xbf16>, vector<256x256xf32> -> vector<256x256xf32>
    %mul3A = arith.mulf %concatenate3A, %concatenate3A : vector<256x1024xf32>
    %reduce_sum3A = arith.constant dense<0.000000e+00> : vector<256xf32>
    %reduce_sum3A_10 = vector.multi_reduction <add>, %mul3A, %reduce_sum3A [1] : vector<256x1024xf32> to vector<256xf32>
    %broadcast_in_dim3A = vector.shape_cast %reduce_sum3A_10 : vector<256xf32> to vector<256x1xf32>
    %transpose3A = tpu.transpose %broadcast_in_dim3A, [1, 0] : vector<256x1xf32> -> vector<1x256xf32>
    %add3A = vector.broadcast %broadcast_in_dim3A : vector<256x1xf32> to vector<256x256xf32>
    %add3A_11 = vector.broadcast %transpose3A : vector<1x256xf32> to vector<256x256xf32>
    %add3A_12 = arith.addf %add3A, %add3A_11 : vector<256x256xf32>
    %mul3A_13 = arith.constant 2.000000e+00 : f32
    %mul3A_14 = vector.broadcast %mul3A_13 : f32 to vector<256x256xf32>
    %mul3A_15 = arith.mulf %mul3A_14, %dot_general3A_9 : vector<256x256xf32>
    %sub3A = arith.subf %add3A_12, %mul3A_15 : vector<256x256xf32>
    %max3A = arith.constant 0.000000e+00 : f32
    %max3A_16 = vector.broadcast %max3A : f32 to vector<256x256xf32>
    %max3A_17 = arith.maximumf %sub3A, %max3A_16 : vector<256x256xf32>
    %reduce_sum3A_18 = arith.constant dense<0.000000e+00> : vector<256xf32>
    %reduce_sum3A_19 = vector.multi_reduction <add>, %max3A_17, %reduce_sum3A_18 [0] : vector<256x256xf32> to vector<256xf32>
    %broadcast_in_dim3A_20 = vector.shape_cast %reduce_sum3A_19 : vector<256xf32> to vector<1x256xf32>
    %mul3A_21 = arith.constant 3.906250e-03 : f32
    %mul3A_22 = vector.broadcast %mul3A_21 : f32 to vector<1x256xf32>
    %mul3A_23 = arith.mulf %broadcast_in_dim3A_20, %mul3A_22 : vector<1x256xf32>
    %swap3A = arith.index_cast %arg0 : i32 to index
    %swap3A_24 = arith.constant 0 : index
    %swap3A_25 = vector.load %arg4[%swap3A, %swap3A_24] : memref<32x256xf32, #tpu.memory_space<vmem>>, vector<1x256xf32>
    tpu.vector_store %arg4[%swap3A, %swap3A_24], %mul3A_23 {strides = array<i32>} : memref<32x256xf32, #tpu.memory_space<vmem>>, vector<1x256xf32>,
    %eq3A = arith.constant 31 : i32
    %eq3A_26 = arith.cmpi eq, %arg0, %eq3A : i32
    %convert_element_type3A_27 = arith.extui %eq3A_26 : i1 to i32
    %cond3A = arith.constant 0 : i32
    %cond3A_28 = arith.cmpi ne, %convert_element_type3A_27, %cond3A : i32
    scf.if %cond3A_28 {
      %get3A_29 = arith.constant 0 : index
      %get3A_30 = arith.constant 0 : index
      %get3A_31 = vector.load %arg4[%get3A_29, %get3A_30] : memref<32x256xf32, #tpu.memory_space<vmem>>, vector<32x256xf32>
      %iota3A = tpu.iota {dimensions = array<i32: 1>} : vector<32x256xi32>
      %iota3A_32 = tpu.iota {dimensions = array<i32: 1>} : vector<32x16xi32>
      %broadcast_in_dim3A_33 = arith.constant 0 : i32
      %broadcast_in_dim3A_34 = vector.broadcast %broadcast_in_dim3A_33 : i32 to vector<32x16xi32>
      %reduce_max3A = arith.constant dense<0xFF800000> : vector<32xf32>
      %reduce_max3A_35 = vector.multi_reduction <maximumf>, %get3A_31, %reduce_max3A [1] : vector<32x256xf32> to vector<32xf32>
      %broadcast_in_dim3A_36 = vector.shape_cast %reduce_max3A_35 : vector<32xf32> to vector<32x1xf32>
      %eq3A_37 = vector.broadcast %broadcast_in_dim3A_36 : vector<32x1xf32> to vector<32x256xf32>
      %eq3A_38 = arith.cmpf oeq, %get3A_31, %eq3A_37 : vector<32x256xf32>
      %jit3A = arith.constant 256 : i32
      %broadcast_in_dim3A_39 = vector.broadcast %jit3A : i32 to vector<32x256xi32>
      %select_n3A = arith.select %eq3A_38, %iota3A, %broadcast_in_dim3A_39 : vector<32x256xi1>, vector<32x256xi32>
      %reduce_min3A = arith.constant dense<2147483647> : vector<32xi32>
      %reduce_min3A_40 = vector.multi_reduction <minsi>, %select_n3A, %reduce_min3A [1] : vector<32x256xi32> to vector<32xi32>
      %broadcast_in_dim3A_41 = vector.shape_cast %reduce_min3A_40 : vector<32xi32> to vector<32x1xi32>
      %eq3A_42 = arith.constant 0 : i32
      %eq3A_43 = vector.broadcast %eq3A_42 : i32 to vector<32x16xi32>
      %eq3A_44 = arith.cmpi eq, %iota3A_32, %eq3A_43 : vector<32x16xi32>
      %broadcast_in_dim3A_45 = vector.shape_cast %broadcast_in_dim3A_41 : vector<32x1xi32> to vector<32x1xi32>
      %broadcast_in_dim3A_46 = vector.broadcast %broadcast_in_dim3A_45 : vector<32x1xi32> to vector<32x16xi32>
      %select_n3A_47 = arith.select %eq3A_44, %broadcast_in_dim3A_46, %broadcast_in_dim3A_34 : vector<32x16xi1>, vector<32x16xi32>
      %eq3A_48 = vector.broadcast %broadcast_in_dim3A_41 : vector<32x1xi32> to vector<32x256xi32>
      %eq3A_49 = arith.cmpi eq, %iota3A, %eq3A_48 : vector<32x256xi32>
      %jit3A_50 = arith.constant -1.000000e+00 : f32
      %broadcast_in_dim3A_51 = vector.broadcast %jit3A_50 : f32 to vector<32x256xf32>
      %select_n3A_52 = arith.select %eq3A_49, %broadcast_in_dim3A_51, %get3A_31 : vector<32x256xi1>, vector<32x256xf32>
      %reduce_max3A_53 = arith.constant dense<0xFF800000> : vector<32xf32>
      %reduce_max3A_54 = vector.multi_reduction <maximumf>, %select_n3A_52, %reduce_max3A_53 [1] : vector<32x256xf32> to vector<32xf32>
      %broadcast_in_dim3A_55 = vector.shape_cast %reduce_max3A_54 : vector<32xf32> to vector<32x1xf32>
      %eq3A_56 = vector.broadcast %broadcast_in_dim3A_55 : vector<32x1xf32> to vector<32x256xf32>
      %eq3A_57 = arith.cmpf oeq, %select_n3A_52, %eq3A_56 : vector<32x256xf32>
      %jit3A_58 = arith.constant 256 : i32
      %broadcast_in_dim3A_59 = vector.broadcast %jit3A_58 : i32 to vector<32x256xi32>
      %select_n3A_60 = arith.select %eq3A_57, %iota3A, %broadcast_in_dim3A_59 : vector<32x256xi1>, vector<32x256xi32>
      %reduce_min3A_61 = arith.constant dense<2147483647> : vector<32xi32>
      %reduce_min3A_62 = vector.multi_reduction <minsi>, %select_n3A_60, %reduce_min3A_61 [1] : vector<32x256xi32> to vector<32xi32>
      %broadcast_in_dim3A_63 = vector.shape_cast %reduce_min3A_62 : vector<32xi32> to vector<32x1xi32>
      %eq3A_64 = arith.constant 1 : i32
      %eq3A_65 = vector.broadcast %eq3A_64 : i32 to vector<32x16xi32>
      %eq3A_66 = arith.cmpi eq, %iota3A_32, %eq3A_65 : vector<32x16xi32>
      %broadcast_in_dim3A_67 = vector.shape_cast %broadcast_in_dim3A_63 : vector<32x1xi32> to vector<32x1xi32>
      %broadcast_in_dim3A_68 = vector.broadcast %broadcast_in_dim3A_67 : vector<32x1xi32> to vector<32x16xi32>
      %select_n3A_69 = arith.select %eq3A_66, %broadcast_in_dim3A_68, %select_n3A_47 : vector<32x16xi1>, vector<32x16xi32>
      %eq3A_70 = vector.broadcast %broadcast_in_dim3A_63 : vector<32x1xi32> to vector<32x256xi32>
      %eq3A_71 = arith.cmpi eq, %iota3A, %eq3A_70 : vector<32x256xi32>
      %jit3A_72 = arith.constant -1.000000e+00 : f32
      %broadcast_in_dim3A_73 = vector.broadcast %jit3A_72 : f32 to vector<32x256xf32>
      %select_n3A_74 = arith.select %eq3A_71, %broadcast_in_dim3A_73, %select_n3A_52 : vector<32x256xi1>, vector<32x256xf32>
      %reduce_max3A_75 = arith.constant dense<0xFF800000> : vector<32xf32>
      %reduce_max3A_76 = vector.multi_reduction <maximumf>, %select_n3A_74, %reduce_max3A_75 [1] : vector<32x256xf32> to vector<32xf32>
      %broadcast_in_dim3A_77 = vector.shape_cast %reduce_max3A_76 : vector<32xf32> to vector<32x1xf32>
      %eq3A_78 = vector.broadcast %broadcast_in_dim3A_77 : vector<32x1xf32> to vector<32x256xf32>
      %eq3A_79 = arith.cmpf oeq, %select_n3A_74, %eq3A_78 : vector<32x256xf32>
      %jit3A_80 = arith.constant 256 : i32
      %broadcast_in_dim3A_81 = vector.broadcast %jit3A_80 : i32 to vector<32x256xi32>
      %select_n3A_82 = arith.select %eq3A_79, %iota3A, %broadcast_in_dim3A_81 : vector<32x256xi1>, vector<32x256xi32>
      %reduce_min3A_83 = arith.constant dense<2147483647> : vector<32xi32>
      %reduce_min3A_84 = vector.multi_reduction <minsi>, %select_n3A_82, %reduce_min3A_83 [1] : vector<32x256xi32> to vector<32xi32>
      %broadcast_in_dim3A_85 = vector.shape_cast %reduce_min3A_84 : vector<32xi32> to vector<32x1xi32>
      %eq3A_86 = arith.constant 2 : i32
      %eq3A_87 = vector.broadcast %eq3A_86 : i32 to vector<32x16xi32>
      %eq3A_88 = arith.cmpi eq, %iota3A_32, %eq3A_87 : vector<32x16xi32>
      %broadcast_in_dim3A_89 = vector.shape_cast %broadcast_in_dim3A_85 : vector<32x1xi32> to vector<32x1xi32>
      %broadcast_in_dim3A_90 = vector.broadcast %broadcast_in_dim3A_89 : vector<32x1xi32> to vector<32x16xi32>
      %select_n3A_91 = arith.select %eq3A_88, %broadcast_in_dim3A_90, %select_n3A_69 : vector<32x16xi1>, vector<32x16xi32>
      %eq3A_92 = vector.broadcast %broadcast_in_dim3A_85 : vector<32x1xi32> to vector<32x256xi32>
      %eq3A_93 = arith.cmpi eq, %iota3A, %eq3A_92 : vector<32x256xi32>
      %jit3A_94 = arith.constant -1.000000e+00 : f32
      %broadcast_in_dim3A_95 = vector.broadcast %jit3A_94 : f32 to vector<32x256xf32>
      %select_n3A_96 = arith.select %eq3A_93, %broadcast_in_dim3A_95, %select_n3A_74 : vector<32x256xi1>, vector<32x256xf32>
      %reduce_max3A_97 = arith.constant dense<0xFF800000> : vector<32xf32>
      %reduce_max3A_98 = vector.multi_reduction <maximumf>, %select_n3A_96, %reduce_max3A_97 [1] : vector<32x256xf32> to vector<32xf32>
      %broadcast_in_dim3A_99 = vector.shape_cast %reduce_max3A_98 : vector<32xf32> to vector<32x1xf32>
      %eq3A_100 = vector.broadcast %broadcast_in_dim3A_99 : vector<32x1xf32> to vector<32x256xf32>
      %eq3A_101 = arith.cmpf oeq, %select_n3A_96, %eq3A_100 : vector<32x256xf32>
      %jit3A_102 = arith.constant 256 : i32
      %broadcast_in_dim3A_103 = vector.broadcast %jit3A_102 : i32 to vector<32x256xi32>
      %select_n3A_104 = arith.select %eq3A_101, %iota3A, %broadcast_in_dim3A_103 : vector<32x256xi1>, vector<32x256xi32>
      %reduce_min3A_105 = arith.constant dense<2147483647> : vector<32xi32>
      %reduce_min3A_106 = vector.multi_reduction <minsi>, %select_n3A_104, %reduce_min3A_105 [1] : vector<32x256xi32> to vector<32xi32>
      %broadcast_in_dim3A_107 = vector.shape_cast %reduce_min3A_106 : vector<32xi32> to vector<32x1xi32>
      %eq3A_108 = arith.constant 3 : i32
      %eq3A_109 = vector.broadcast %eq3A_108 : i32 to vector<32x16xi32>
      %eq3A_110 = arith.cmpi eq, %iota3A_32, %eq3A_109 : vector<32x16xi32>
      %broadcast_in_dim3A_111 = vector.shape_cast %broadcast_in_dim3A_107 : vector<32x1xi32> to vector<32x1xi32>
      %broadcast_in_dim3A_112 = vector.broadcast %broadcast_in_dim3A_111 : vector<32x1xi32> to vector<32x16xi32>
      %select_n3A_113 = arith.select %eq3A_110, %broadcast_in_dim3A_112, %select_n3A_91 : vector<32x16xi1>, vector<32x16xi32>
      %eq3A_114 = vector.broadcast %broadcast_in_dim3A_107 : vector<32x1xi32> to vector<32x256xi32>
      %eq3A_115 = arith.cmpi eq, %iota3A, %eq3A_114 : vector<32x256xi32>
      %jit3A_116 = arith.constant -1.000000e+00 : f32
      %broadcast_in_dim3A_117 = vector.broadcast %jit3A_116 : f32 to vector<32x256xf32>
      %select_n3A_118 = arith.select %eq3A_115, %broadcast_in_dim3A_117, %select_n3A_96 : vector<32x256xi1>, vector<32x256xf32>
      %reduce_max3A_119 = arith.constant dense<0xFF800000> : vector<32xf32>
      %reduce_max3A_120 = vector.multi_reduction <maximumf>, %select_n3A_118, %reduce_max3A_119 [1] : vector<32x256xf32> to vector<32xf32>
      %broadcast_in_dim3A_121 = vector.shape_cast %reduce_max3A_120 : vector<32xf32> to vector<32x1xf32>
      %eq3A_122 = vector.broadcast %broadcast_in_dim3A_121 : vector<32x1xf32> to vector<32x256xf32>
      %eq3A_123 = arith.cmpf oeq, %select_n3A_118, %eq3A_122 : vector<32x256xf32>
      %jit3A_124 = arith.constant 256 : i32
      %broadcast_in_dim3A_125 = vector.broadcast %jit3A_124 : i32 to vector<32x256xi32>
      %select_n3A_126 = arith.select %eq3A_123, %iota3A, %broadcast_in_dim3A_125 : vector<32x256xi1>, vector<32x256xi32>
      %reduce_min3A_127 = arith.constant dense<2147483647> : vector<32xi32>
      %reduce_min3A_128 = vector.multi_reduction <minsi>, %select_n3A_126, %reduce_min3A_127 [1] : vector<32x256xi32> to vector<32xi32>
      %broadcast_in_dim3A_129 = vector.shape_cast %reduce_min3A_128 : vector<32xi32> to vector<32x1xi32>
      %eq3A_130 = arith.constant 4 : i32
      %eq3A_131 = vector.broadcast %eq3A_130 : i32 to vector<32x16xi32>
      %eq3A_132 = arith.cmpi eq, %iota3A_32, %eq3A_131 : vector<32x16xi32>
      %broadcast_in_dim3A_133 = vector.shape_cast %broadcast_in_dim3A_129 : vector<32x1xi32> to vector<32x1xi32>
      %broadcast_in_dim3A_134 = vector.broadcast %broadcast_in_dim3A_133 : vector<32x1xi32> to vector<32x16xi32>
      %select_n3A_135 = arith.select %eq3A_132, %broadcast_in_dim3A_134, %select_n3A_113 : vector<32x16xi1>, vector<32x16xi32>
      %eq3A_136 = vector.broadcast %broadcast_in_dim3A_129 : vector<32x1xi32> to vector<32x256xi32>
      %eq3A_137 = arith.cmpi eq, %iota3A, %eq3A_136 : vector<32x256xi32>
      %jit3A_138 = arith.constant -1.000000e+00 : f32
      %broadcast_in_dim3A_139 = vector.broadcast %jit3A_138 : f32 to vector<32x256xf32>
      %select_n3A_140 = arith.select %eq3A_137, %broadcast_in_dim3A_139, %select_n3A_118 : vector<32x256xi1>, vector<32x256xf32>
      %reduce_max3A_141 = arith.constant dense<0xFF800000> : vector<32xf32>
      %reduce_max3A_142 = vector.multi_reduction <maximumf>, %select_n3A_140, %reduce_max3A_141 [1] : vector<32x256xf32> to vector<32xf32>
      %broadcast_in_dim3A_143 = vector.shape_cast %reduce_max3A_142 : vector<32xf32> to vector<32x1xf32>
      %eq3A_144 = vector.broadcast %broadcast_in_dim3A_143 : vector<32x1xf32> to vector<32x256xf32>
      %eq3A_145 = arith.cmpf oeq, %select_n3A_140, %eq3A_144 : vector<32x256xf32>
      %jit3A_146 = arith.constant 256 : i32
      %broadcast_in_dim3A_147 = vector.broadcast %jit3A_146 : i32 to vector<32x256xi32>
      %select_n3A_148 = arith.select %eq3A_145, %iota3A, %broadcast_in_dim3A_147 : vector<32x256xi1>, vector<32x256xi32>
      %reduce_min3A_149 = arith.constant dense<2147483647> : vector<32xi32>
      %reduce_min3A_150 = vector.multi_reduction <minsi>, %select_n3A_148, %reduce_min3A_149 [1] : vector<32x256xi32> to vector<32xi32>
      %broadcast_in_dim3A_151 = vector.shape_cast %reduce_min3A_150 : vector<32xi32> to vector<32x1xi32>
      %eq3A_152 = arith.constant 5 : i32
      %eq3A_153 = vector.broadcast %eq3A_152 : i32 to vector<32x16xi32>
      %eq3A_154 = arith.cmpi eq, %iota3A_32, %eq3A_153 : vector<32x16xi32>
      %broadcast_in_dim3A_155 = vector.shape_cast %broadcast_in_dim3A_151 : vector<32x1xi32> to vector<32x1xi32>
      %broadcast_in_dim3A_156 = vector.broadcast %broadcast_in_dim3A_155 : vector<32x1xi32> to vector<32x16xi32>
      %select_n3A_157 = arith.select %eq3A_154, %broadcast_in_dim3A_156, %select_n3A_135 : vector<32x16xi1>, vector<32x16xi32>
      %eq3A_158 = vector.broadcast %broadcast_in_dim3A_151 : vector<32x1xi32> to vector<32x256xi32>
      %eq3A_159 = arith.cmpi eq, %iota3A, %eq3A_158 : vector<32x256xi32>
      %jit3A_160 = arith.constant -1.000000e+00 : f32
      %broadcast_in_dim3A_161 = vector.broadcast %jit3A_160 : f32 to vector<32x256xf32>
      %select_n3A_162 = arith.select %eq3A_159, %broadcast_in_dim3A_161, %select_n3A_140 : vector<32x256xi1>, vector<32x256xf32>
      %reduce_max3A_163 = arith.constant dense<0xFF800000> : vector<32xf32>
      %reduce_max3A_164 = vector.multi_reduction <maximumf>, %select_n3A_162, %reduce_max3A_163 [1] : vector<32x256xf32> to vector<32xf32>
      %broadcast_in_dim3A_165 = vector.shape_cast %reduce_max3A_164 : vector<32xf32> to vector<32x1xf32>
      %eq3A_166 = vector.broadcast %broadcast_in_dim3A_165 : vector<32x1xf32> to vector<32x256xf32>
      %eq3A_167 = arith.cmpf oeq, %select_n3A_162, %eq3A_166 : vector<32x256xf32>
      %jit3A_168 = arith.constant 256 : i32
      %broadcast_in_dim3A_169 = vector.broadcast %jit3A_168 : i32 to vector<32x256xi32>
      %select_n3A_170 = arith.select %eq3A_167, %iota3A, %broadcast_in_dim3A_169 : vector<32x256xi1>, vector<32x256xi32>
      %reduce_min3A_171 = arith.constant dense<2147483647> : vector<32xi32>
      %reduce_min3A_172 = vector.multi_reduction <minsi>, %select_n3A_170, %reduce_min3A_171 [1] : vector<32x256xi32> to vector<32xi32>
      %broadcast_in_dim3A_173 = vector.shape_cast %reduce_min3A_172 : vector<32xi32> to vector<32x1xi32>
      %eq3A_174 = arith.constant 6 : i32
      %eq3A_175 = vector.broadcast %eq3A_174 : i32 to vector<32x16xi32>
      %eq3A_176 = arith.cmpi eq, %iota3A_32, %eq3A_175 : vector<32x16xi32>
      %broadcast_in_dim3A_177 = vector.shape_cast %broadcast_in_dim3A_173 : vector<32x1xi32> to vector<32x1xi32>
      %broadcast_in_dim3A_178 = vector.broadcast %broadcast_in_dim3A_177 : vector<32x1xi32> to vector<32x16xi32>
      %select_n3A_179 = arith.select %eq3A_176, %broadcast_in_dim3A_178, %select_n3A_157 : vector<32x16xi1>, vector<32x16xi32>
      %eq3A_180 = vector.broadcast %broadcast_in_dim3A_173 : vector<32x1xi32> to vector<32x256xi32>
      %eq3A_181 = arith.cmpi eq, %iota3A, %eq3A_180 : vector<32x256xi32>
      %jit3A_182 = arith.constant -1.000000e+00 : f32
      %broadcast_in_dim3A_183 = vector.broadcast %jit3A_182 : f32 to vector<32x256xf32>
      %select_n3A_184 = arith.select %eq3A_181, %broadcast_in_dim3A_183, %select_n3A_162 : vector<32x256xi1>, vector<32x256xf32>
      %reduce_max3A_185 = arith.constant dense<0xFF800000> : vector<32xf32>
      %reduce_max3A_186 = vector.multi_reduction <maximumf>, %select_n3A_184, %reduce_max3A_185 [1] : vector<32x256xf32> to vector<32xf32>
      %broadcast_in_dim3A_187 = vector.shape_cast %reduce_max3A_186 : vector<32xf32> to vector<32x1xf32>
      %eq3A_188 = vector.broadcast %broadcast_in_dim3A_187 : vector<32x1xf32> to vector<32x256xf32>
      %eq3A_189 = arith.cmpf oeq, %select_n3A_184, %eq3A_188 : vector<32x256xf32>
      %jit3A_190 = arith.constant 256 : i32
      %broadcast_in_dim3A_191 = vector.broadcast %jit3A_190 : i32 to vector<32x256xi32>
      %select_n3A_192 = arith.select %eq3A_189, %iota3A, %broadcast_in_dim3A_191 : vector<32x256xi1>, vector<32x256xi32>
      %reduce_min3A_193 = arith.constant dense<2147483647> : vector<32xi32>
      %reduce_min3A_194 = vector.multi_reduction <minsi>, %select_n3A_192, %reduce_min3A_193 [1] : vector<32x256xi32> to vector<32xi32>
      %broadcast_in_dim3A_195 = vector.shape_cast %reduce_min3A_194 : vector<32xi32> to vector<32x1xi32>
      %eq3A_196 = arith.constant 7 : i32
      %eq3A_197 = vector.broadcast %eq3A_196 : i32 to vector<32x16xi32>
      %eq3A_198 = arith.cmpi eq, %iota3A_32, %eq3A_197 : vector<32x16xi32>
      %broadcast_in_dim3A_199 = vector.shape_cast %broadcast_in_dim3A_195 : vector<32x1xi32> to vector<32x1xi32>
      %broadcast_in_dim3A_200 = vector.broadcast %broadcast_in_dim3A_199 : vector<32x1xi32> to vector<32x16xi32>
      %select_n3A_201 = arith.select %eq3A_198, %broadcast_in_dim3A_200, %select_n3A_179 : vector<32x16xi1>, vector<32x16xi32>
      %eq3A_202 = vector.broadcast %broadcast_in_dim3A_195 : vector<32x1xi32> to vector<32x256xi32>
      %eq3A_203 = arith.cmpi eq, %iota3A, %eq3A_202 : vector<32x256xi32>
      %jit3A_204 = arith.constant -1.000000e+00 : f32
      %broadcast_in_dim3A_205 = vector.broadcast %jit3A_204 : f32 to vector<32x256xf32>
      %select_n3A_206 = arith.select %eq3A_203, %broadcast_in_dim3A_205, %select_n3A_184 : vector<32x256xi1>, vector<32x256xf32>
      %reduce_max3A_207 = arith.constant dense<0xFF800000> : vector<32xf32>
      %reduce_max3A_208 = vector.multi_reduction <maximumf>, %select_n3A_206, %reduce_max3A_207 [1] : vector<32x256xf32> to vector<32xf32>
      %broadcast_in_dim3A_209 = vector.shape_cast %reduce_max3A_208 : vector<32xf32> to vector<32x1xf32>
      %eq3A_210 = vector.broadcast %broadcast_in_dim3A_209 : vector<32x1xf32> to vector<32x256xf32>
      %eq3A_211 = arith.cmpf oeq, %select_n3A_206, %eq3A_210 : vector<32x256xf32>
      %jit3A_212 = arith.constant 256 : i32
      %broadcast_in_dim3A_213 = vector.broadcast %jit3A_212 : i32 to vector<32x256xi32>
      %select_n3A_214 = arith.select %eq3A_211, %iota3A, %broadcast_in_dim3A_213 : vector<32x256xi1>, vector<32x256xi32>
      %reduce_min3A_215 = arith.constant dense<2147483647> : vector<32xi32>
      %reduce_min3A_216 = vector.multi_reduction <minsi>, %select_n3A_214, %reduce_min3A_215 [1] : vector<32x256xi32> to vector<32xi32>
      %broadcast_in_dim3A_217 = vector.shape_cast %reduce_min3A_216 : vector<32xi32> to vector<32x1xi32>
      %eq3A_218 = arith.constant 8 : i32
      %eq3A_219 = vector.broadcast %eq3A_218 : i32 to vector<32x16xi32>
      %eq3A_220 = arith.cmpi eq, %iota3A_32, %eq3A_219 : vector<32x16xi32>
      %broadcast_in_dim3A_221 = vector.shape_cast %broadcast_in_dim3A_217 : vector<32x1xi32> to vector<32x1xi32>
      %broadcast_in_dim3A_222 = vector.broadcast %broadcast_in_dim3A_221 : vector<32x1xi32> to vector<32x16xi32>
      %select_n3A_223 = arith.select %eq3A_220, %broadcast_in_dim3A_222, %select_n3A_201 : vector<32x16xi1>, vector<32x16xi32>
      %eq3A_224 = vector.broadcast %broadcast_in_dim3A_217 : vector<32x1xi32> to vector<32x256xi32>
      %eq3A_225 = arith.cmpi eq, %iota3A, %eq3A_224 : vector<32x256xi32>
      %jit3A_226 = arith.constant -1.000000e+00 : f32
      %broadcast_in_dim3A_227 = vector.broadcast %jit3A_226 : f32 to vector<32x256xf32>
      %select_n3A_228 = arith.select %eq3A_225, %broadcast_in_dim3A_227, %select_n3A_206 : vector<32x256xi1>, vector<32x256xf32>
      %reduce_max3A_229 = arith.constant dense<0xFF800000> : vector<32xf32>
      %reduce_max3A_230 = vector.multi_reduction <maximumf>, %select_n3A_228, %reduce_max3A_229 [1] : vector<32x256xf32> to vector<32xf32>
      %broadcast_in_dim3A_231 = vector.shape_cast %reduce_max3A_230 : vector<32xf32> to vector<32x1xf32>
      %eq3A_232 = vector.broadcast %broadcast_in_dim3A_231 : vector<32x1xf32> to vector<32x256xf32>
      %eq3A_233 = arith.cmpf oeq, %select_n3A_228, %eq3A_232 : vector<32x256xf32>
      %jit3A_234 = arith.constant 256 : i32
      %broadcast_in_dim3A_235 = vector.broadcast %jit3A_234 : i32 to vector<32x256xi32>
      %select_n3A_236 = arith.select %eq3A_233, %iota3A, %broadcast_in_dim3A_235 : vector<32x256xi1>, vector<32x256xi32>
      %reduce_min3A_237 = arith.constant dense<2147483647> : vector<32xi32>
      %reduce_min3A_238 = vector.multi_reduction <minsi>, %select_n3A_236, %reduce_min3A_237 [1] : vector<32x256xi32> to vector<32xi32>
      %broadcast_in_dim3A_239 = vector.shape_cast %reduce_min3A_238 : vector<32xi32> to vector<32x1xi32>
      %eq3A_240 = arith.constant 9 : i32
      %eq3A_241 = vector.broadcast %eq3A_240 : i32 to vector<32x16xi32>
      %eq3A_242 = arith.cmpi eq, %iota3A_32, %eq3A_241 : vector<32x16xi32>
      %broadcast_in_dim3A_243 = vector.shape_cast %broadcast_in_dim3A_239 : vector<32x1xi32> to vector<32x1xi32>
      %broadcast_in_dim3A_244 = vector.broadcast %broadcast_in_dim3A_243 : vector<32x1xi32> to vector<32x16xi32>
      %select_n3A_245 = arith.select %eq3A_242, %broadcast_in_dim3A_244, %select_n3A_223 : vector<32x16xi1>, vector<32x16xi32>
      %eq3A_246 = vector.broadcast %broadcast_in_dim3A_239 : vector<32x1xi32> to vector<32x256xi32>
      %eq3A_247 = arith.cmpi eq, %iota3A, %eq3A_246 : vector<32x256xi32>
      %jit3A_248 = arith.constant -1.000000e+00 : f32
      %broadcast_in_dim3A_249 = vector.broadcast %jit3A_248 : f32 to vector<32x256xf32>
      %select_n3A_250 = arith.select %eq3A_247, %broadcast_in_dim3A_249, %select_n3A_228 : vector<32x256xi1>, vector<32x256xf32>
      %reduce_max3A_251 = arith.constant dense<0xFF800000> : vector<32xf32>
      %reduce_max3A_252 = vector.multi_reduction <maximumf>, %select_n3A_250, %reduce_max3A_251 [1] : vector<32x256xf32> to vector<32xf32>
      %broadcast_in_dim3A_253 = vector.shape_cast %reduce_max3A_252 : vector<32xf32> to vector<32x1xf32>
      %eq3A_254 = vector.broadcast %broadcast_in_dim3A_253 : vector<32x1xf32> to vector<32x256xf32>
      %eq3A_255 = arith.cmpf oeq, %select_n3A_250, %eq3A_254 : vector<32x256xf32>
      %jit3A_256 = arith.constant 256 : i32
      %broadcast_in_dim3A_257 = vector.broadcast %jit3A_256 : i32 to vector<32x256xi32>
      %select_n3A_258 = arith.select %eq3A_255, %iota3A, %broadcast_in_dim3A_257 : vector<32x256xi1>, vector<32x256xi32>
      %reduce_min3A_259 = arith.constant dense<2147483647> : vector<32xi32>
      %reduce_min3A_260 = vector.multi_reduction <minsi>, %select_n3A_258, %reduce_min3A_259 [1] : vector<32x256xi32> to vector<32xi32>
      %broadcast_in_dim3A_261 = vector.shape_cast %reduce_min3A_260 : vector<32xi32> to vector<32x1xi32>
      %eq3A_262 = arith.constant 10 : i32
      %eq3A_263 = vector.broadcast %eq3A_262 : i32 to vector<32x16xi32>
      %eq3A_264 = arith.cmpi eq, %iota3A_32, %eq3A_263 : vector<32x16xi32>
      %broadcast_in_dim3A_265 = vector.shape_cast %broadcast_in_dim3A_261 : vector<32x1xi32> to vector<32x1xi32>
      %broadcast_in_dim3A_266 = vector.broadcast %broadcast_in_dim3A_265 : vector<32x1xi32> to vector<32x16xi32>
      %select_n3A_267 = arith.select %eq3A_264, %broadcast_in_dim3A_266, %select_n3A_245 : vector<32x16xi1>, vector<32x16xi32>
      %eq3A_268 = vector.broadcast %broadcast_in_dim3A_261 : vector<32x1xi32> to vector<32x256xi32>
      %eq3A_269 = arith.cmpi eq, %iota3A, %eq3A_268 : vector<32x256xi32>
      %jit3A_270 = arith.constant -1.000000e+00 : f32
      %broadcast_in_dim3A_271 = vector.broadcast %jit3A_270 : f32 to vector<32x256xf32>
      %select_n3A_272 = arith.select %eq3A_269, %broadcast_in_dim3A_271, %select_n3A_250 : vector<32x256xi1>, vector<32x256xf32>
      %reduce_max3A_273 = arith.constant dense<0xFF800000> : vector<32xf32>
      %reduce_max3A_274 = vector.multi_reduction <maximumf>, %select_n3A_272, %reduce_max3A_273 [1] : vector<32x256xf32> to vector<32xf32>
      %broadcast_in_dim3A_275 = vector.shape_cast %reduce_max3A_274 : vector<32xf32> to vector<32x1xf32>
      %eq3A_276 = vector.broadcast %broadcast_in_dim3A_275 : vector<32x1xf32> to vector<32x256xf32>
      %eq3A_277 = arith.cmpf oeq, %select_n3A_272, %eq3A_276 : vector<32x256xf32>
      %jit3A_278 = arith.constant 256 : i32
      %broadcast_in_dim3A_279 = vector.broadcast %jit3A_278 : i32 to vector<32x256xi32>
      %select_n3A_280 = arith.select %eq3A_277, %iota3A, %broadcast_in_dim3A_279 : vector<32x256xi1>, vector<32x256xi32>
      %reduce_min3A_281 = arith.constant dense<2147483647> : vector<32xi32>
      %reduce_min3A_282 = vector.multi_reduction <minsi>, %select_n3A_280, %reduce_min3A_281 [1] : vector<32x256xi32> to vector<32xi32>
      %broadcast_in_dim3A_283 = vector.shape_cast %reduce_min3A_282 : vector<32xi32> to vector<32x1xi32>
      %eq3A_284 = arith.constant 11 : i32
      %eq3A_285 = vector.broadcast %eq3A_284 : i32 to vector<32x16xi32>
      %eq3A_286 = arith.cmpi eq, %iota3A_32, %eq3A_285 : vector<32x16xi32>
      %broadcast_in_dim3A_287 = vector.shape_cast %broadcast_in_dim3A_283 : vector<32x1xi32> to vector<32x1xi32>
      %broadcast_in_dim3A_288 = vector.broadcast %broadcast_in_dim3A_287 : vector<32x1xi32> to vector<32x16xi32>
      %select_n3A_289 = arith.select %eq3A_286, %broadcast_in_dim3A_288, %select_n3A_267 : vector<32x16xi1>, vector<32x16xi32>
      %eq3A_290 = vector.broadcast %broadcast_in_dim3A_283 : vector<32x1xi32> to vector<32x256xi32>
      %eq3A_291 = arith.cmpi eq, %iota3A, %eq3A_290 : vector<32x256xi32>
      %jit3A_292 = arith.constant -1.000000e+00 : f32
      %broadcast_in_dim3A_293 = vector.broadcast %jit3A_292 : f32 to vector<32x256xf32>
      %select_n3A_294 = arith.select %eq3A_291, %broadcast_in_dim3A_293, %select_n3A_272 : vector<32x256xi1>, vector<32x256xf32>
      %reduce_max3A_295 = arith.constant dense<0xFF800000> : vector<32xf32>
      %reduce_max3A_296 = vector.multi_reduction <maximumf>, %select_n3A_294, %reduce_max3A_295 [1] : vector<32x256xf32> to vector<32xf32>
      %broadcast_in_dim3A_297 = vector.shape_cast %reduce_max3A_296 : vector<32xf32> to vector<32x1xf32>
      %eq3A_298 = vector.broadcast %broadcast_in_dim3A_297 : vector<32x1xf32> to vector<32x256xf32>
      %eq3A_299 = arith.cmpf oeq, %select_n3A_294, %eq3A_298 : vector<32x256xf32>
      %jit3A_300 = arith.constant 256 : i32
      %broadcast_in_dim3A_301 = vector.broadcast %jit3A_300 : i32 to vector<32x256xi32>
      %select_n3A_302 = arith.select %eq3A_299, %iota3A, %broadcast_in_dim3A_301 : vector<32x256xi1>, vector<32x256xi32>
      %reduce_min3A_303 = arith.constant dense<2147483647> : vector<32xi32>
      %reduce_min3A_304 = vector.multi_reduction <minsi>, %select_n3A_302, %reduce_min3A_303 [1] : vector<32x256xi32> to vector<32xi32>
      %broadcast_in_dim3A_305 = vector.shape_cast %reduce_min3A_304 : vector<32xi32> to vector<32x1xi32>
      %eq3A_306 = arith.constant 12 : i32
      %eq3A_307 = vector.broadcast %eq3A_306 : i32 to vector<32x16xi32>
      %eq3A_308 = arith.cmpi eq, %iota3A_32, %eq3A_307 : vector<32x16xi32>
      %broadcast_in_dim3A_309 = vector.shape_cast %broadcast_in_dim3A_305 : vector<32x1xi32> to vector<32x1xi32>
      %broadcast_in_dim3A_310 = vector.broadcast %broadcast_in_dim3A_309 : vector<32x1xi32> to vector<32x16xi32>
      %select_n3A_311 = arith.select %eq3A_308, %broadcast_in_dim3A_310, %select_n3A_289 : vector<32x16xi1>, vector<32x16xi32>
      %eq3A_312 = vector.broadcast %broadcast_in_dim3A_305 : vector<32x1xi32> to vector<32x256xi32>
      %eq3A_313 = arith.cmpi eq, %iota3A, %eq3A_312 : vector<32x256xi32>
      %jit3A_314 = arith.constant -1.000000e+00 : f32
      %broadcast_in_dim3A_315 = vector.broadcast %jit3A_314 : f32 to vector<32x256xf32>
      %select_n3A_316 = arith.select %eq3A_313, %broadcast_in_dim3A_315, %select_n3A_294 : vector<32x256xi1>, vector<32x256xf32>
      %reduce_max3A_317 = arith.constant dense<0xFF800000> : vector<32xf32>
      %reduce_max3A_318 = vector.multi_reduction <maximumf>, %select_n3A_316, %reduce_max3A_317 [1] : vector<32x256xf32> to vector<32xf32>
      %broadcast_in_dim3A_319 = vector.shape_cast %reduce_max3A_318 : vector<32xf32> to vector<32x1xf32>
      %eq3A_320 = vector.broadcast %broadcast_in_dim3A_319 : vector<32x1xf32> to vector<32x256xf32>
      %eq3A_321 = arith.cmpf oeq, %select_n3A_316, %eq3A_320 : vector<32x256xf32>
      %jit3A_322 = arith.constant 256 : i32
      %broadcast_in_dim3A_323 = vector.broadcast %jit3A_322 : i32 to vector<32x256xi32>
      %select_n3A_324 = arith.select %eq3A_321, %iota3A, %broadcast_in_dim3A_323 : vector<32x256xi1>, vector<32x256xi32>
      %reduce_min3A_325 = arith.constant dense<2147483647> : vector<32xi32>
      %reduce_min3A_326 = vector.multi_reduction <minsi>, %select_n3A_324, %reduce_min3A_325 [1] : vector<32x256xi32> to vector<32xi32>
      %broadcast_in_dim3A_327 = vector.shape_cast %reduce_min3A_326 : vector<32xi32> to vector<32x1xi32>
      %eq3A_328 = arith.constant 13 : i32
      %eq3A_329 = vector.broadcast %eq3A_328 : i32 to vector<32x16xi32>
      %eq3A_330 = arith.cmpi eq, %iota3A_32, %eq3A_329 : vector<32x16xi32>
      %broadcast_in_dim3A_331 = vector.shape_cast %broadcast_in_dim3A_327 : vector<32x1xi32> to vector<32x1xi32>
      %broadcast_in_dim3A_332 = vector.broadcast %broadcast_in_dim3A_331 : vector<32x1xi32> to vector<32x16xi32>
      %select_n3A_333 = arith.select %eq3A_330, %broadcast_in_dim3A_332, %select_n3A_311 : vector<32x16xi1>, vector<32x16xi32>
      %eq3A_334 = vector.broadcast %broadcast_in_dim3A_327 : vector<32x1xi32> to vector<32x256xi32>
      %eq3A_335 = arith.cmpi eq, %iota3A, %eq3A_334 : vector<32x256xi32>
      %jit3A_336 = arith.constant -1.000000e+00 : f32
      %broadcast_in_dim3A_337 = vector.broadcast %jit3A_336 : f32 to vector<32x256xf32>
      %select_n3A_338 = arith.select %eq3A_335, %broadcast_in_dim3A_337, %select_n3A_316 : vector<32x256xi1>, vector<32x256xf32>
      %reduce_max3A_339 = arith.constant dense<0xFF800000> : vector<32xf32>
      %reduce_max3A_340 = vector.multi_reduction <maximumf>, %select_n3A_338, %reduce_max3A_339 [1] : vector<32x256xf32> to vector<32xf32>
      %broadcast_in_dim3A_341 = vector.shape_cast %reduce_max3A_340 : vector<32xf32> to vector<32x1xf32>
      %eq3A_342 = vector.broadcast %broadcast_in_dim3A_341 : vector<32x1xf32> to vector<32x256xf32>
      %eq3A_343 = arith.cmpf oeq, %select_n3A_338, %eq3A_342 : vector<32x256xf32>
      %jit3A_344 = arith.constant 256 : i32
      %broadcast_in_dim3A_345 = vector.broadcast %jit3A_344 : i32 to vector<32x256xi32>
      %select_n3A_346 = arith.select %eq3A_343, %iota3A, %broadcast_in_dim3A_345 : vector<32x256xi1>, vector<32x256xi32>
      %reduce_min3A_347 = arith.constant dense<2147483647> : vector<32xi32>
      %reduce_min3A_348 = vector.multi_reduction <minsi>, %select_n3A_346, %reduce_min3A_347 [1] : vector<32x256xi32> to vector<32xi32>
      %broadcast_in_dim3A_349 = vector.shape_cast %reduce_min3A_348 : vector<32xi32> to vector<32x1xi32>
      %eq3A_350 = arith.constant 14 : i32
      %eq3A_351 = vector.broadcast %eq3A_350 : i32 to vector<32x16xi32>
      %eq3A_352 = arith.cmpi eq, %iota3A_32, %eq3A_351 : vector<32x16xi32>
      %broadcast_in_dim3A_353 = vector.shape_cast %broadcast_in_dim3A_349 : vector<32x1xi32> to vector<32x1xi32>
      %broadcast_in_dim3A_354 = vector.broadcast %broadcast_in_dim3A_353 : vector<32x1xi32> to vector<32x16xi32>
      %select_n3A_355 = arith.select %eq3A_352, %broadcast_in_dim3A_354, %select_n3A_333 : vector<32x16xi1>, vector<32x16xi32>
      %eq3A_356 = vector.broadcast %broadcast_in_dim3A_349 : vector<32x1xi32> to vector<32x256xi32>
      %eq3A_357 = arith.cmpi eq, %iota3A, %eq3A_356 : vector<32x256xi32>
      %jit3A_358 = arith.constant -1.000000e+00 : f32
      %broadcast_in_dim3A_359 = vector.broadcast %jit3A_358 : f32 to vector<32x256xf32>
      %select_n3A_360 = arith.select %eq3A_357, %broadcast_in_dim3A_359, %select_n3A_338 : vector<32x256xi1>, vector<32x256xf32>
      %reduce_max3A_361 = arith.constant dense<0xFF800000> : vector<32xf32>
      %reduce_max3A_362 = vector.multi_reduction <maximumf>, %select_n3A_360, %reduce_max3A_361 [1] : vector<32x256xf32> to vector<32xf32>
      %broadcast_in_dim3A_363 = vector.shape_cast %reduce_max3A_362 : vector<32xf32> to vector<32x1xf32>
      %eq3A_364 = vector.broadcast %broadcast_in_dim3A_363 : vector<32x1xf32> to vector<32x256xf32>
      %eq3A_365 = arith.cmpf oeq, %select_n3A_360, %eq3A_364 : vector<32x256xf32>
      %jit3A_366 = arith.constant 256 : i32
      %broadcast_in_dim3A_367 = vector.broadcast %jit3A_366 : i32 to vector<32x256xi32>
      %select_n3A_368 = arith.select %eq3A_365, %iota3A, %broadcast_in_dim3A_367 : vector<32x256xi1>, vector<32x256xi32>
      %reduce_min3A_369 = arith.constant dense<2147483647> : vector<32xi32>
      %reduce_min3A_370 = vector.multi_reduction <minsi>, %select_n3A_368, %reduce_min3A_369 [1] : vector<32x256xi32> to vector<32xi32>
      %broadcast_in_dim3A_371 = vector.shape_cast %reduce_min3A_370 : vector<32xi32> to vector<32x1xi32>
      %eq3A_372 = arith.constant 15 : i32
      %eq3A_373 = vector.broadcast %eq3A_372 : i32 to vector<32x16xi32>
      %eq3A_374 = arith.cmpi eq, %iota3A_32, %eq3A_373 : vector<32x16xi32>
      %broadcast_in_dim3A_375 = vector.shape_cast %broadcast_in_dim3A_371 : vector<32x1xi32> to vector<32x1xi32>
      %broadcast_in_dim3A_376 = vector.broadcast %broadcast_in_dim3A_375 : vector<32x1xi32> to vector<32x16xi32>
      %select_n3A_377 = arith.select %eq3A_374, %broadcast_in_dim3A_376, %select_n3A_355 : vector<32x16xi1>, vector<32x16xi32>
      %swap3A_378 = arith.constant 0 : index
      %swap3A_379 = arith.constant 0 : index
      %swap3A_380 = vector.load %arg3[%swap3A_378, %swap3A_379] : memref<32x16xi32, #tpu.memory_space<vmem>>, vector<32x16xi32>
      tpu.vector_store %arg3[%swap3A_378, %swap3A_379], %select_n3A_377 {strides = array<i32>} : memref<32x16xi32, #tpu.memory_space<vmem>>, vector<32x16xi32>,
    } else {
    }
    return
  }
  func.func @transform_0(%arg0: i32) -> (i32, i32, i32) {
    %c0_i32 = arith.constant 0 : i32
    %c0_i32_0 = arith.constant 0 : i32
    %c0_i32_1 = arith.constant 0 : i32
    return %arg0, %c0_i32, %c0_i32_0 : i32, i32, i32
  }
  func.func @transform_1(%arg0: i32) -> (i32, i32, i32) {
    %c1_i32 = arith.constant 1 : i32
    %c0_i32 = arith.constant 0 : i32
    %c0_i32_0 = arith.constant 0 : i32
    return %arg0, %c1_i32, %c0_i32 : i32, i32, i32
  }
  func.func @transform_2(%arg0: i32) -> (i32, i32) {
    %c0_i32 = arith.constant 0 : i32
    %c0_i32_0 = arith.constant 0 : i32
    %c0_i32_1 = arith.constant 0 : i32
    return %c0_i32, %c0_i32_0 : i32, i32
  }
}

</mosaic_0001>

<sc_bundles>
// kernel: sparse-core-data-format-call.cloned.1.call-start
scs
called_computation_lowered:
.L_overlay_start_0:
0x0: {  	s2 =	sld [smem:$0x3FD9]  }
0x1: {  	s3 =	sld [smem:$0x3FFE];
	_ =	sdelay $0x1  }
0x2: {  	s1 =	srdreg.scid  }
0x3: {  	s0 =	sand.u32 $0x1, s1  }
0x4: {  	s18 =	sshll.u32 s0, $0xA;
	s2 =	sadd.s32 s3, s2  }
0x5: {  	s2 =	sadd.s32 s2, s18  }
0x6: {  	[smem:$0x3FC7] =	sst s2  }
0x7: {  	_ = 	snop  }
0x8: {  	s2 =	sld [smem:$0x3FC9];
	(tm) =	ssettm $0x1  }
0x9: {  	s19 =	sld [smem:$0x3FFB];
	_ =	sdelay $0x3  }
0xa: {  	_ =	strace s19  }
0xb: {  	s3 =	sld [smem:$0x3FFC];
	_ =	sdelay $0x3  }
0xc: {  	_ =	strace s3  }
0xd: {  	s3 =	sld [smem:$0x3FFD];
	_ =	sdelay $0x3  }
0xe: {  	_ =	strace s3  }
0xf: {  	_ =	strace $0x8FFFFFFF  }
0x10: {  	s20 =	sld [smem:$0x3FDB];
	_ =	sdelay $0x1  }
0x11: {  	s4 =	simm.s32 $_scs_section_size  }
0x12: {  	s5 =	simm.s32 $_size__tile_overlayer_lowered;
	s6 =	simm.s32 $_tile_overlayer_lowered  }
0x13: {  	s23 =	simm.s32 $0x1BFF;
	s22 =	sshll.u32 s6, $0x1;
	s3 =	sadd.s32 s4, s20  }
0x14: {  	s7 =	simm.s32 $0x0;
	s21 =	sshll.u32 s5, $0x1;
	s5 =	sadd.s32 s22, s3  }
0x15: {  	[timem:s7], [sflag:s23] =	dma.local [hbm:s5], s21  }
0x16: {  	_ =	swait.ge [sflag:s23], s21  }
0x17: {  	s4 =	ssub.s32 $0x0, s21;
	[sflag:s23] =	ssyncset.done $0x0  }
0x18: {  	[sflag:s23] =	ssyncadd.s32 s4;
	_ =	sdelay $0x1  }
0x19: {  	s24 =	simm.s32 $0x1B8B  }
0x1a: {  	_ =	swait.ge [sflag:s24], $0x1  }
0x1b: {  	[sflag:s24] =	ssyncset.done $0x0  }
0x1c: {  	s26 =	simm.s32 $0x1B8E;
	s25 =	sld [smem:$0x3FFE];
	[sflag:s24] =	ssyncadd.s32 $0xFFFFFFFF  }
0x1d: {  	s27 =	simm.s32 $execute0_lowered;
	[smem:$0x3FD2] =	sst s26  }
0x1e: {  	s5 =	sshll.u32 s27, $0x1;
	_ =	strace $0x80000046;
	[dreg:$0x1] =	wrdreg $0xFFFFFFFF  }
0x1f: {  	s28 =	simm.s32 $_size_execute0_lowered;
	s3 =	sadd.s32 s3, s5;
	[dreg:$0x0] =	wrdreg $0x0  }
0x20: {  	s5 =	sshll.u32 s28, $0x1;
	[dreg:$0x2] =	wrdreg s3  }
0x21: {  	[dreg:$0x3] =	wrdreg s5  }
0x22: {  	[dreg:$0x4] =	wrdreg $0xC0  }
0x23: {  	_ =	task [dreg:s7], $0x5FFFF  }
0x24: {  	[dreg:$0x1] =	wrdreg $0xFFFFFFFF  }
0x25: {  	[dreg:$0x0] =	wrdreg $0x60  }
0x26: {  	[dreg:$0x2] =	wrdreg s2  }
0x27: {  	[dreg:$0x3] =	wrdreg s25  }
0x28: {  	[dreg:$0x4] =	wrdreg $0x9  }
0x29: {  	_ =	task.clear_ibuf [dreg:s7], $0x5FFFF;
	_ =	strace $0x90000046  }
0x2a: {  	s29 =	simm.s32 $0x9;
	_ =	strace $0x80000048  }
0x2b: {  	_ =	swait.ge [sflag:s29], $0x1  }
0x2c: {  	[sflag:s29] =	ssyncadd.s32 $0xFFFFFFFF  }
0x2d: {  	_ =	strace $0x90000048  }
0x2e: {  	_ =	sfence  }
0x2f: {  	s30 =	sld [smem:$0x0];
	_ =	sdelay $0x2  }
0x30: {  	s31 =	sshll.u32 s1, $0xD;
	s1 =	sshrl.u32 s1, $0x2  }
0x31: {  	s3 =	sand.u32 $0x4000, s31;
	s1 =	sadd.s32 s1, s30  }
0x32: {  	s0 =	sor.u32 s3, s0;
	s1 =	sshll.u32 s1, $0x11  }
0x33: {  	s0 =	sor.u32 s1, s0  }
0x34: {  	s0 =	sadd.s32 $0x8F2B, s0  }
0x35: {  	[sflag:s0] =	ssyncadd.remote.s32 $0x1  }
0x36: {  	_ =	sfence.sel $0xFFFF  }
0x37: {  	[dreg:$0x0] =	wrdreg $0xFFFFFFFF;
	(pc) =	sbr.abs _section_cstart, $3  }
0x38: {  	[dreg:$0x1] =	wrdreg $0xFFFFFFFF  }
0x39: {  	_ =	task.clear_ibuf [dreg:s7], $0x2FFFF;
	_ =	strace $0x9FFFFFFF  }
0x3a: {  	(tm) =	ssettm $0x7FFFFFFF  }
0x3b: {  	_ =	shalt  }
tec
execute0_lowered:
.L_overlay_start_1:
0x0: {  	(tag) =	ssettag $0x1  }
0x1: {  	s2 =	rddreg [dreg:$0x0]  }
0x2: {  	s1 =	rddreg [dreg:$0x1]  }
0x3: {  	s0 =	rddreg [dreg:$0x2]  }
0x4: {  	s4 =	srdreg.scid;
	_ =	strace $0x80000047;
	s6 =	simm.s32 $0x2  }
0x5: {  	s13 =	simm.s32 $0x0;
	p0 =	por $0x0, $0x0;
	s11 =	simm.s32 $0x0  }
.Ltmp0:
0x6: {  	s12 =	simm.s32 $0x0;
	s8 =	simm.s32 $0x0;
	(pc) =	sbr.rel .LBB1_1-.Ltmp0, $4  }
0x7: {  	s9 =	simm.s32 $0x0;
	s3 =	sadd.s32 $0x400, s1;
	s4 =	sshll.u32 s4, $0x4  }
0x8: {  	s1 =	stileid.u32;
	s5 =	sand.u32 $0x10, s4;
	s4 =	simm.s32 $0x1  }
0x9: {  	s7 =	simm.s32 $0x0;
	s5 =	sor.u32 s1, s5;
	[sflag:s4] =	ssyncpa.u1 $0x0  }
0xa: {  	[sflag:s6] =	ssyncpa.u1 $0x0;
	s6 =	simm.s32 $0x80;
	s10 =	smov.u32 s5  }
.LBB1_5:
0xb: {  	s14 =	sadd.s32 $0x100, s8  }
0xc: {  	s11 =	sadd.s32 $0x40, s9;
	s15 =	smov.u32 s9;
	p2 =	sgt.s32 s14, $0xFFF  }
0xd: {  	s15 =	smov.u32 @p2 s11  }
0xe: {  	s17 =	smov.u32 s10;
	s11 =	sadd.s32 $0x20, s10;
	p3 =	sgt.s32 s15, $0x3F  }
0xf: {  	p1 =	slt.u32 s7, $0x2;
	s17 =	smov.u32 @p3 s11  }
0x10: {  	s7 =	sadd.s32 $0x1, s7;
	s14 =	simm.s32 @p2 $0x0;
	p2 =	sgt.s32 s17, $0x1F  }
0x11: {  	s17 =	smov.u32 @p2 s5;
	p2 =	sne.s32 s7, $0x12  }
.Ltmp1:
0x12: {  	s16 =	simm.s32 @!p1 $0x2;
	(pc) =	sbr.rel @!p2 .LBB1_6-.Ltmp1, $4  }
0x13: {  	s13 =	smov.u32 s8;
	_ =	swait.ge @!p1 [sflag:s16], $0x4000  }
0x14: {  	s12 =	smov.u32 s10;
	p0 =	por !p0, !p0;
	[sflag:s16] =	ssyncset.done @!p1 $0x0  }
0x15: {  	s8 =	smov.u32 s14;
	s15 =	simm.s32 @p3 $0x0;
	s11 =	smov.u32 s9  }
0x16: {  	[sflag:s16] =	ssyncadd.s32 @!p1 $0xFFFFC000;
	s9 =	smov.u32 s15;
	s10 =	smov.u32 s17  }
.LBB1_1:
0x17: {  	p1 =	sgt.u32 s7, $0xF  }
0x18: {  	s14 =	sxor.u32 @!p1 $0xFFFFFFFF, s7;
	s15 =	sand.u32 @!p1 $0x78, s8;
	s16 =	sshll.u32 @!p1 s9, $0xC  }
0x19: {  	s17 =	sshll.u32 @!p1 s9, $0x7;
	s18 =	sshll.u32 @!p1 s8, $0x3;
	s14 =	sshll.u32 @!p1 s14, $0xE  }
0x1a: {  	s16 =	sand.u32 @!p1 $0x38000, s16;
	s17 =	sand.u32 @!p1 $0x380, s17;
	s14 =	sand.u32 @!p1 $0x4000, s14  }
0x1b: {  	s16 =	sadd.s32 @!p1 s16, s18;
	s18 =	sand.u32 @!p1 $0xC00, s18;
	s15 =	sor.u32 @!p1 s17, s15  }
0x1c: {  	s17 =	sshll.u32 @!p1 s10, $0xF;
	s15 =	sor.u32 @!p1 s18, s15;
	s16 =	sshrl.u32 @!p1 s16, $0x3  }
0x1d: {  	s17 =	sadd.s32 @!p1 s2, s17;
	s18 =	sand.u32 @!p1 $0x7, s8;
	s16 =	sand.u32 @!p1 $0x7E00, s16  }
0x1e: {  	s15 =	sshrl.u32 @!p1 s15, $0x3;
	s16 =	sadd.s32 @!p1 s16, s17;
	s17 =	sshll.u32 @!p1 s18, $0x12  }
0x1f: {  	s15 =	sadd.s32 @!p1 s15, s16;
	s16 =	sor.u32 @!p1 $0x800, s17;
	s17 =	simm.s32 @!p1 $0x8000  }
0x20: {  	[tilespmem:s14], [sflag:$0x1] =	stream.strided.gather @!p1 [hbm4b:s15+s16], $0x4000, s17, s16, $0x38;
	[tilespmem:$0x10200] =	vst v63  }
0x21: {  	p1 =	seq.s32 s7, $0x0  }
0x22: {  	p2 =	seq.s32 @!p1 s7, $0x11  }
0x23: {  	p1 =	por p1, p2  }
.Ltmp2:
0x24: {  	_ = 	snop;
	(pc) =	sbr.rel @p1 .LBB1_5-.Ltmp2, $1  }
0x25: {  	_ =	sdelay $0x3  }
0x26: {  	s17 =	simm.s32 $0x0  }
0x27: {  	s16 =	sand.u32 $0x3800, s17;
	s18 =	sand.u32 $0x380, s17  }
0x28: {  	s14 =	sand.u32 $0x1, s7;
	s16 =	sor.u32 s18, s16  }
0x29: {  	_ =	swait.ge [sflag:s4], $0x4000;
	s15 =	sshll.u32 s14, $0xE;
	s18 =	sand.u32 $0x3B00, s16  }
0x2a: {  	[sflag:s4] =	ssyncset.done $0x0;
	s17 =	sand.u32 $0x80, s17;
	s18 =	sadd.s32 s18, s15  }
0x2b: {  	[sflag:s4] =	ssyncadd.s32 $0xFFFFC000;
	s20 =	sadd.s32 s17, s18  }
0x2c: {  	v4 =	vld [tilespmem:s20+$0x400]  }
0x2d: {  	s19 =	simm.s32 $0x1;
	v5 =	vld [tilespmem:s20+$0x0]  }
0x2e: {  	s19 =	simm.s32 @!p0 $0x0;
	v6 =	vld [tilespmem:s20+$0x10]  }
0x2f: {  	v0 =	vmov s15;
	s31 =	smul.u32 $0x10400, s19;
	v7 =	vld [tilespmem:s20+$0x20]  }
0x30: {  	v9 =	vld [tilespmem:s20+$0x30]  }
0x31: {  	s17 =	sshrl.u32 s31, $0x2;
	v10 =	vld [tilespmem:s20+$0x40]  }
0x32: {  	s17 =	sor.u32 $0x8000, s17;
	v11 =	vld [tilespmem:s20+$0x50]  }
0x33: {  	v8 =	vld [tilespmem:s20+$0x60];
	s18 =	sadd.s32 $0x0, s17  }
0x34: {  	v1 =	vld.idx.msk [tilespmem:v0+s16+$0x410 ss:$0x1], $0xffff;
	[tilespmem:s18+$0x2080 ss:$0x41] =	vst.msk $0xffff, v4  }
0x35: {  	v2 =	vld.idx.msk [tilespmem:v0+s16+$0x420 ss:$0x1], $0xffff;
	[tilespmem:s18+$0x0 ss:$0x41] =	vst.msk $0xffff, v5  }
0x36: {  	v3 =	vld.idx.msk [tilespmem:v0+s16+$0x430 ss:$0x1], $0xffff;
	[tilespmem:s18+$0x410 ss:$0x41] =	vst.msk $0xffff, v6  }
0x37: {  	s14 =	smul.u32 $0x10400, s14;
	[tilespmem:s18+$0x820 ss:$0x41] =	vst.msk $0xffff, v7;
	v7 =	vld [tilespmem:s20+$0x70]  }
0x38: {  	s21 =	simm.s32 $0x100;
	s22 =	simm.s32 $0x8;
	[tilespmem:s18+$0xC30 ss:$0x41] =	vst.msk $0xffff, v9;
	v4 =	vld.idx.msk [tilespmem:v0+s16+$0x440 ss:$0x1], $0xffff  }
0x39: {  	s23 =	sand.u32 $0x3800, s21;
	s14 =	sshrl.u32 s14, $0x2;
	[tilespmem:s18+$0x1040 ss:$0x41] =	vst.msk $0xffff, v10;
	v5 =	vld.idx.msk [tilespmem:v0+s16+$0x450 ss:$0x1], $0xffff;
	s20 =	simm.s32 $0x80  }
0x3a: {  	s19 =	simm.s32 $0x4;
	s14 =	sor.u32 $0x8000, s14;
	[tilespmem:s18+$0x1450 ss:$0x41] =	vst.msk $0xffff, v11;
	v6 =	vld.idx.msk [tilespmem:v0+s16+$0x460 ss:$0x1], $0xffff;
	s24 =	sand.u32 $0x380, s20  }
.LBB1_3:
0x3b: {  	p1 =	sne.s32 s22, $0xFC;
	[tilespmem:s18+$0x1860 ss:$0x41] =	vst.msk $0xffff, v8;
	v8 =	vld.idx.msk [tilespmem:v0+s16+$0x470 ss:$0x1], $0xffff;
	s16 =	sor.u32 s24, s23  }
0x3c: {  	s23 =	sand.u32 $0x3B00, s16;
	v9 =	vld.idx.msk [tilespmem:v0+s16+$0x410 ss:$0x1], $0xffff;
	[tilespmem:s18+$0x1C70 ss:$0x41] =	vst.msk $0xffff, v7  }
0x3d: {  	s24 =	sand.u32 $0x80, s20;
	s23 =	sadd.s32 s23, s15;
	v7 =	vld.idx.msk [tilespmem:v0+s16+$0x420 ss:$0x1], $0xffff;
	[tilespmem:s18+$0x2490 ss:$0x41] =	vst.msk $0xffff, v1  }
0x3e: {  	s23 =	sadd.s32 s24, s23;
	v10 =	vld.idx.msk [tilespmem:v0+s16+$0x430 ss:$0x1], $0xffff;
	[tilespmem:s18+$0x28A0 ss:$0x41] =	vst.msk $0xffff, v2  }
0x3f: {  	v11 =	vld [tilespmem:s23+$0x400];
	[tilespmem:s18+$0x2CB0 ss:$0x41] =	vst.msk $0xffff, v3  }
0x40: {  	v12 =	vld [tilespmem:s23+$0x0];
	[tilespmem:s18+$0x30C0 ss:$0x41] =	vst.msk $0xffff, v4  }
0x41: {  	v4 =	vld [tilespmem:s23+$0x10];
	[tilespmem:s18+$0x34D0 ss:$0x41] =	vst.msk $0xffff, v5  }
0x42: {  	s24 =	sshra.s32 s19, $0x2;
	s19 =	smov.u32 s22;
	v1 =	vmov v9;
	v5 =	vld [tilespmem:s23+$0x20];
	[tilespmem:s18+$0x38E0 ss:$0x41] =	vst.msk $0xffff, v6  }
0x43: {  	v2 =	vmov v7;
	v6 =	vld [tilespmem:s23+$0x30];
	[tilespmem:s18+$0x3CF0 ss:$0x41] =	vst.msk $0xffff, v8;
	s18 =	sadd.s32 s24, s17  }
0x44: {  	v3 =	vmov v10;
	v9 =	vld [tilespmem:s23+$0x40];
	[tilespmem:s18+$0x2080 ss:$0x41] =	vst.msk $0xffff, v11  }
0x45: {  	[tilespmem:s18+$0x0 ss:$0x41] =	vst.msk $0xffff, v12;
	v10 =	vld [tilespmem:s23+$0x50]  }
.Ltmp3:
0x46: {  	[tilespmem:s18+$0x410 ss:$0x41] =	vst.msk $0xffff, v4;
	v8 =	vld [tilespmem:s23+$0x60];
	(pc) =	sbr.rel @p1 .LBB1_3-.Ltmp3, $4  }
0x47: {  	[tilespmem:s18+$0x820 ss:$0x41] =	vst.msk $0xffff, v5;
	v7 =	vld [tilespmem:s23+$0x70]  }
0x48: {  	[tilespmem:s18+$0xC30 ss:$0x41] =	vst.msk $0xffff, v6;
	v4 =	vld.idx.msk [tilespmem:v0+s16+$0x440 ss:$0x1], $0xffff  }
0x49: {  	s20 =	sadd.s32 $0x80, s20;
	s21 =	sadd.s32 $0x100, s21;
	[tilespmem:s18+$0x1040 ss:$0x41] =	vst.msk $0xffff, v9;
	v5 =	vld.idx.msk [tilespmem:v0+s16+$0x450 ss:$0x1], $0xffff  }
0x4a: {  	s22 =	sadd.s32 $0x4, s22;
	s24 =	sand.u32 $0x380, s20;
	s23 =	sand.u32 $0x3800, s21;
	[tilespmem:s18+$0x1450 ss:$0x41] =	vst.msk $0xffff, v10;
	v6 =	vld.idx.msk [tilespmem:v0+s16+$0x460 ss:$0x1], $0xffff  }
0x4b: {  	_ = 	snop  }
0x4c: {  	[tilespmem:s18+$0x1860 ss:$0x41] =	vst.msk $0xffff, v8  }
0x4d: {  	[tilespmem:s18+$0x2490 ss:$0x41] =	vst.msk $0xffff, v1  }
0x4e: {  	[tilespmem:s18+$0x28A0 ss:$0x41] =	vst.msk $0xffff, v2  }
0x4f: {  	s21 =	sor.u32 s24, s23;
	v47 =	vld.idx.msk [tilespmem:v0+s16+$0x470 ss:$0x1], $0xffff;
	[tilespmem:s18+$0x2CB0 ss:$0x41] =	vst.msk $0xffff, v3  }
0x50: {  	[tilespmem:s18+$0x1C70 ss:$0x41] =	vst.msk $0xffff, v7;
	v57 =	vld.idx.msk [tilespmem:v0+s21+$0x410 ss:$0x1], $0xffff  }
0x51: {  	v58 =	vld.idx.msk [tilespmem:v0+s21+$0x420 ss:$0x1], $0xffff;
	[tilespmem:s18+$0x30C0 ss:$0x41] =	vst.msk $0xffff, v4  }
0x52: {  	v59 =	vld.idx.msk [tilespmem:v0+s21+$0x430 ss:$0x1], $0xffff;
	[tilespmem:s18+$0x34D0 ss:$0x41] =	vst.msk $0xffff, v5  }
0x53: {  	s27 =	sshra.s32 s19, $0x2;
	v60 =	vld.idx.msk [tilespmem:v0+s21+$0x440 ss:$0x1], $0xffff;
	[tilespmem:s18+$0x38E0 ss:$0x41] =	vst.msk $0xffff, v6  }
0x54: {  	s22 =	sand.u32 $0x3B00, s21;
	s16 =	sadd.s32 s27, s17;
	v61 =	vld.idx.msk [tilespmem:v0+s21+$0x450 ss:$0x1], $0xffff;
	[tilespmem:s18+$0x3CF0 ss:$0x41] =	vst.msk $0xffff, v47  }
0x55: {  	s20 =	sand.u32 $0x80, s20;
	v62 =	vld.idx.msk [tilespmem:v0+s21+$0x460 ss:$0x1], $0xffff;
	s15 =	sadd.s32 s22, s15;
	[tilespmem:s16+$0x2490 ss:$0x41] =	vst.msk $0xffff, v57  }
0x56: {  	v63 =	vld.idx.msk [tilespmem:v0+s21+$0x470 ss:$0x1], $0xffff;
	s15 =	sadd.s32 s20, s15;
	[tilespmem:s16+$0x28A0 ss:$0x41] =	vst.msk $0xffff, v58  }
0x57: {  	v48 =	vld [tilespmem:s15+$0x400];
	[tilespmem:s16+$0x2CB0 ss:$0x41] =	vst.msk $0xffff, v59  }
0x58: {  	v49 =	vld [tilespmem:s15+$0x0];
	[tilespmem:s16+$0x30C0 ss:$0x41] =	vst.msk $0xffff, v60  }
0x59: {  	v50 =	vld [tilespmem:s15+$0x10];
	[tilespmem:s16+$0x34D0 ss:$0x41] =	vst.msk $0xffff, v61  }
0x5a: {  	v51 =	vld [tilespmem:s15+$0x20];
	[tilespmem:s16+$0x38E0 ss:$0x41] =	vst.msk $0xffff, v62  }
0x5b: {  	v52 =	vld [tilespmem:s15+$0x30];
	[tilespmem:s16+$0x3CF0 ss:$0x41] =	vst.msk $0xffff, v63  }
0x5c: {  	v53 =	vld [tilespmem:s15+$0x40];
	[tilespmem:s16+$0x2080 ss:$0x41] =	vst.msk $0xffff, v48  }
0x5d: {  	v54 =	vld [tilespmem:s15+$0x50];
	[tilespmem:s16+$0x0 ss:$0x41] =	vst.msk $0xffff, v49  }
0x5e: {  	s13 =	sshll.u32 s13, $0x7;
	s28 =	sshll.u32 s11, $0x3;
	v55 =	vld [tilespmem:s15+$0x60];
	[tilespmem:s16+$0x410 ss:$0x41] =	vst.msk $0xffff, v50  }
0x5f: {  	s12 =	sshll.u32 s12, $0x10;
	s29 =	sand.u32 $0x7FC00, s13;
	v56 =	vld [tilespmem:s15+$0x70];
	s15 =	sand.u32 $0x7FC00, s28;
	[tilespmem:s16+$0x820 ss:$0x41] =	vst.msk $0xffff, v51  }
0x60: {  	s30 =	sshrl.u32 s11, $0x3;
	s13 =	sand.u32 $0x380, s13;
	s15 =	sadd.s32 s15, s29;
	[tilespmem:s16+$0xC30 ss:$0x41] =	vst.msk $0xffff, v52  }
.Ltmp4:
0x61: {  	s31 =	sand.u32 $0x7, s11;
	s13 =	sor.u32 s13, s15;
	[tilespmem:s16+$0x1040 ss:$0x41] =	vst.msk $0xffff, v53;
	(pc) =	sbr.rel .LBB1_5-.Ltmp4, $4  }
0x62: {  	s12 =	sadd.s32 s3, s12;
	s15 =	sand.u32 $0xF, s30;
	s13 =	sshrl.u32 s13, $0x3;
	[tilespmem:s16+$0x1450 ss:$0x41] =	vst.msk $0xffff, v54  }
0x63: {  	s11 =	sshll.u32 s31, $0x12;
	s12 =	sadd.s32 s15, s12;
	s13 =	sand.u32 $0xFFF0, s13;
	[tilespmem:s16+$0x1860 ss:$0x41] =	vst.msk $0xffff, v55  }
0x64: {  	s11 =	sor.u32 $0x40, s11;
	[tilespmem:s16+$0x1C70 ss:$0x41] =	vst.msk $0xffff, v56;
	s12 =	sadd.s32 s13, s12  }
0x65: {  	[hbm4b:s12+s11] =	stream.strided.scatter [tilespmem:s14], [sflag:$0x2], $0x4000, s6, s11, $0x18;
	[tilespmem:$0x10200] =	vst v63  }
.LBB1_6:
0x66: {  	_ =	sfence.sel $0x180000  }
0x67: {  	s2 =	simm.s32 $0x1;
	[bflag:$0x0] =	sbarrier.arrive $0xFFFF  }
0x68: {  	s31 =	simm.s32 $0x2;
	[sflag:s2] =	ssyncpa.u1 $0x1  }
0x69: {  	[sflag:s31] =	ssyncpa.u1 $0x1  }
0x6a: {  	p0 =	sne.s32 s1, $0x0;
	_ =	strace $0x90000047  }
0x6b: {  	s0 =	sadd.s32 @!p0 $0x100000, s0;
	[bflag:$0x2] =	sbarrier.arrive $0xFFFF  }
0x6c: {  	[sflag:s0] =	ssyncadd.tile.s32 @!p0 $0x1;
	_ =	shalt  }
.Lfunc_end1:
_tile_overlayer_lowered:
.L_overlay_start_2:
0x6d: {  	(tag) =	ssettag $0x2  }
0x6e: {  	s0 =	rddreg [dreg:$0x0];
	s2 =	stileid.u32  }
0x6f: {  	s1 =	rddreg [dreg:$0x1];
	p0 =	sne.s32 s2, $0x0  }
0x70: {  	s3 =	rddreg [dreg:$0x2];
	[bflag:$0x3] =	sbarrier.arrive $0xFFFF;
	s2 =	simm.s32 @!p0 $0x1C01  }
0x71: {  	[timem:s3], [sflag:s2] =	dma.local @!p0 [hbm:s0], s1  }
0x72: {  	s0 =	simm.s32 @!p0 $0x1  }
0x73: {  	_ =	swait.ge @!p0 [sflag:s0], s1  }
0x74: {  	s1 =	ssub.s32 @!p0 $0x0, s1;
	[sflag:s0] =	ssyncset.done @!p0 $0x0  }
0x75: {  	[sflag:s0] =	ssyncadd.s32 @!p0 s1  }
0x76: {  	[bflag:$0x3] =	sbarrier.arrive $0xFFFF  }
0x77: {  	_ =	shalt  }

</sc_bundles>
